<compile_context>
chip_gen: v7x
topology: tpu7x:2x2x1
jax: 0.10.2.dev20260603
libtpu: 0.0.44.dev20260713+nightly
codegen_flags: <defaults>
</compile_context>

<pallas_src>
import functools

import jax
import jax.numpy as jnp
from jax import lax
from jax.experimental import pallas as pl
from jax.experimental.pallas import tpu as pltpu
from jax.experimental.pallas import tpu_sc as plsc

B, D = 16384, 32
K, CF = 64, 8
S, NREQ = 4, 8
CD_W = 16


def _route_body(x_ref, cf_ref, cent_ref, rsw_ref, coef_ref, bias_ref,
                clu_ref, cd_ref):
    x = x_ref[...]
    cf = cf_ref[...]
    cent = cent_ref[...]

    sel = (lax.broadcasted_iota(jnp.int32, (D, CF), 0) == cf
           ).astype(jnp.float32)
    G = lax.dot_general(sel, -2.0 * cent, (((1,), (1,)), ((), ())),
                        preferred_element_type=jnp.float32)
    c0 = lax.dot_general(jnp.ones((1, CF), jnp.float32), cent * cent,
                         (((1,), (1,)), ((), ())),
                         preferred_element_type=jnp.float32)
    scores = lax.dot_general(x, G, (((1,), (0,)), ((), ())),
                             preferred_element_type=jnp.float32) + c0

    minv = jnp.min(scores, axis=1, keepdims=True)
    iota_k = lax.broadcasted_iota(jnp.int32, (B, K), 1)
    clu_ref[...] = jnp.min(jnp.where(scores == minv, iota_k, K),
                           axis=1, keepdims=True)

    a = jnp.abs(rsw_ref[...])
    wn = a / jnp.maximum(jnp.sum(a, axis=1, keepdims=True), 1e-12)
    cmat = lax.dot_general(wn, coef_ref[...], (((1,), (0,)), ((), ())),
                           preferred_element_type=jnp.float32)
    dvec = lax.dot_general(wn, bias_ref[...], (((1,), (1,)), ((), ())),
                           preferred_element_type=jnp.float32)
    cd_ref[...] = jnp.concatenate(
        [cmat, dvec, jnp.zeros((K, CD_W - NREQ - 1), jnp.float32)], axis=1)


def _route(x, cf2d, cent, rsw, coefs, bias2d, interpret=False):
    return pl.pallas_call(
        _route_body,
        out_shape=[jax.ShapeDtypeStruct((B, 1), jnp.int32),
                   jax.ShapeDtypeStruct((K, CD_W), jnp.float32)],
        interpret=interpret,
    )(x, cf2d, cent, rsw, coefs, bias2d)


_NC, _NS, _L = 2, 16, 16
_NW = _NC * _NS
_RPW = B // _NW


def _mix_body(x_hbm, clu_hbm, cd_hbm, out_hbm, x_v, clu_v, cd_v, out_v):
    wid = lax.axis_index("s") * _NC + lax.axis_index("c")
    base = wid * _RPW
    pltpu.sync_copy(x_hbm.at[pl.ds(base * D, _RPW * D)], x_v)
    pltpu.sync_copy(clu_hbm.at[pl.ds(base, _RPW)], clu_v)
    pltpu.sync_copy(cd_hbm, cd_v)

    lanes = lax.iota(jnp.int32, _L)

    def group(g, carry):
        r0 = g * _L
        xbase = r0 * D + lanes * D
        k16 = clu_v[pl.ds(r0, _L)]
        cdbase = k16 * CD_W
        acc = plsc.load_gather(cd_v, [cdbase + NREQ])
        for j in range(NREQ):
            xj = plsc.load_gather(x_v, [xbase + j])
            cj = plsc.load_gather(cd_v, [cdbase + j])
            acc = acc + xj * cj
        out_v[pl.ds(r0, _L)] = acc
        return carry

    lax.fori_loop(0, _RPW // _L, group, 0)
    pltpu.sync_copy(out_v, out_hbm.at[pl.ds(base, _RPW)])


@functools.cache
def _mix():
    return pl.kernel(
        _mix_body,
        out_type=jax.ShapeDtypeStruct((B,), jnp.float32),
        mesh=plsc.VectorSubcoreMesh(core_axis_name="c", subcore_axis_name="s"),
        compiler_params=pltpu.CompilerParams(needs_layout_passes=False),
        scratch_types=[
            pltpu.VMEM((_RPW * D,), jnp.float32),
            pltpu.VMEM((_RPW,), jnp.int32),
            pltpu.VMEM((K * CD_W,), jnp.float32),
            pltpu.VMEM((_RPW,), jnp.float32),
        ],
    )


def kernel(x, clustering_features, centroids, running_sn_weight, sn_coefs,
           sn_bias):
    cf2d = clustering_features.astype(jnp.int32).reshape(1, CF)
    bias2d = sn_bias.reshape(1, S)
    clu, cd = _route(x, cf2d, centroids, running_sn_weight, sn_coefs, bias2d)
    out = _mix()(x.reshape(B * D), clu.reshape(B), cd.reshape(K * CD_W))
    return out.reshape(B, 1)

# --- scband reference (transcript-rebuilt; emitter-appended) ---
"""Pipeline reference for scband-abstract-snclustering-36094905155960 (READ-ONLY COPY).

The authoritative reference and input builder live on the scoring server;
editing this copy changes nothing except your own understanding.
"""

import jax, jax.numpy as jnp
import numpy as np

N_REQ = 8  # required_indices = first 8 continuous-feature columns; zero_slip = 0 for all

def setup_inputs(seed: int = 0) -> dict:
    key = jax.random.key(seed)
    ks = jax.random.split(key, 6)
    B, D = 16384, 32       # batch, n_cont_features
    K, Cf = 64, 8          # n_clusters, n_clustering_features
    S = 4                  # number of SN modules
    x = jax.random.normal(ks[0], (B, D), dtype=jnp.float32)
    clustering_features = jax.random.randint(ks[1], (Cf,), 0, D)
    centroids = jax.random.normal(ks[2], (K, Cf), dtype=jnp.float32)  # clustering params (nearest-centroid)
    running_sn_weight = jnp.ones((K, S), dtype=jnp.float32) * (1.0 / S)  # matches torch init
    sn_coefs = jax.random.normal(ks[3], (S, N_REQ), dtype=jnp.float32)
    sn_bias = jax.random.normal(ks[4], (S,), dtype=jnp.float32)
    return {"x": x, "clustering_features": clustering_features, "centroids": centroids,
            "running_sn_weight": running_sn_weight, "sn_coefs": sn_coefs, "sn_bias": sn_bias}

def reference(x, clustering_features, centroids, running_sn_weight, sn_coefs, sn_bias):
    B = x.shape[0]
    K = centroids.shape[0]
    # extract_cols: required cols minus zero_slip (zero_slip = 0 here)
    req = x[:, :N_REQ]
    # clustering: x[:, clustering_features] -> hard nearest-centroid assignment
    xc = jnp.take(x, clustering_features, axis=1)
    d2 = jnp.sum((xc[:, None, :] - centroids[None, :, :]) ** 2, axis=-1)
    x_cluster = jnp.argmin(d2, axis=1)  # [B]
    # responsibility one-hot scatter + cluster counts
    resp = jnp.zeros((B, K), dtype=x.dtype).at[jnp.arange(B), x_cluster].set(1.0)
    nk = jnp.sum(resp, axis=0) + 1e-12
    # each SN produces [B]; concat -> [B, S]. SN_i modeled as affine fn of required cols.
    x_sn = req @ sn_coefs.T + sn_bias[None, :]  # [B, S]
    # per-cluster mixing weights: gather by assignment, abs, L1-normalize (torch F.normalize p=1, eps=1e-12)
    w = jnp.abs(jnp.take(running_sn_weight, x_cluster, axis=0))  # [B, S]
    w = w / jnp.maximum(jnp.sum(w, axis=1, keepdims=True), 1e-12)
    x_sn = x_sn * w
    out = jnp.sum(x_sn, axis=1).reshape(-1, 1)
    return out

if __name__ == "__main__":
    import jax
    _d = setup_inputs()
    print(jax.jit(kernel)(*tuple(_d.values())))

</pallas_src>

<mosaic_0001>
#map = affine_map<(d0, d1) -> (0)>
module attributes {stable_mosaic.version = 14 : i64} {
  func.func @_mix_body(%arg0: i32, %arg1: i32, %arg2: memref<524288xf32, #tpu.memory_space<hbm>>, %arg3: memref<16384xi32, #tpu.memory_space<hbm>>, %arg4: memref<1024xf32, #tpu.memory_space<hbm>>, %arg5: memref<16384xf32, #tpu.memory_space<hbm>>, %arg6: memref<16384xf32, #tpu.memory_space<vmem>>, %arg7: memref<512xi32, #tpu.memory_space<vmem>>, %arg8: memref<1024xf32, #tpu.memory_space<vmem>>, %arg9: memref<512xf32, #tpu.memory_space<vmem>>) attributes {dimension_semantics = [#tpu.dimension_semantics<core_parallel>, #tpu.dimension_semantics<subcore_parallel>], iteration_bounds = array<i64: 2, 16>, scalar_prefetch = 0 : i64, scratch_operands = 4 : i64, tpu.core_type = #tpu.core_type<sc_vector_subcore>, window_params = [{transform_indices = #map}, {transform_indices = #map}, {transform_indices = #map}, {transform_indices = #map}]} {
    %mul3A = arith.constant 2 : i32
    %mul3A_0 = arith.muli %arg1, %mul3A : i32
    %add3A = arith.addi %mul3A_0, %arg0 : i32
    %mul3A_1 = arith.constant 512 : i32
    %mul3A_2 = arith.muli %add3A, %mul3A_1 : i32
    %mul3A_3 = arith.constant 32 : i32
    %mul3A_4 = arith.muli %mul3A_2, %mul3A_3 : i32
    "tpu.region"() ({
      %run_scoped3A = tpu.sem_alloc : memref<!tpu.dma_semaphore, #tpu.memory_space<semaphore_mem>>
      %dma_start3A = tpu.memref_slice %arg2[%mul3A_4] : memref<524288xf32, #tpu.memory_space<hbm>> -> memref<16384xf32, #tpu.memory_space<hbm>>
      %dma_start3A_10 = tpu.memref_slice %arg2[%mul3A_4] : memref<524288xf32, #tpu.memory_space<hbm>> -> memref<16384xf32, #tpu.memory_space<hbm>>
      tpu.enqueue_dma source(%dma_start3A_10 : memref<16384xf32, #tpu.memory_space<hbm>>) target(%arg6 : memref<16384xf32, #tpu.memory_space<vmem>>) target_semaphore(%run_scoped3A : memref<!tpu.dma_semaphore, #tpu.memory_space<semaphore_mem>>)
      %dma_wait3A = tpu.memref_slice %arg2[%mul3A_4] : memref<524288xf32, #tpu.memory_space<hbm>> -> memref<16384xf32, #tpu.memory_space<hbm>>
      %dma_wait3A_11 = tpu.memref_slice %arg2[%mul3A_4] : memref<524288xf32, #tpu.memory_space<hbm>> -> memref<16384xf32, #tpu.memory_space<hbm>>
      tpu.wait_dma2 semaphore(%run_scoped3A : memref<!tpu.dma_semaphore, #tpu.memory_space<semaphore_mem>>) src(%dma_wait3A_11 : memref<16384xf32, #tpu.memory_space<hbm>>) dst(%arg6 : memref<16384xf32, #tpu.memory_space<vmem>>)
      tpu.yield
    }) : () -> ()
    "tpu.region"() ({
      %run_scoped3A = tpu.sem_alloc : memref<!tpu.dma_semaphore, #tpu.memory_space<semaphore_mem>>
      %dma_start3A = tpu.memref_slice %arg3[%mul3A_2] : memref<16384xi32, #tpu.memory_space<hbm>> -> memref<512xi32, #tpu.memory_space<hbm>>
      %dma_start3A_10 = tpu.memref_slice %arg3[%mul3A_2] : memref<16384xi32, #tpu.memory_space<hbm>> -> memref<512xi32, #tpu.memory_space<hbm>>
      tpu.enqueue_dma source(%dma_start3A_10 : memref<512xi32, #tpu.memory_space<hbm>>) target(%arg7 : memref<512xi32, #tpu.memory_space<vmem>>) target_semaphore(%run_scoped3A : memref<!tpu.dma_semaphore, #tpu.memory_space<semaphore_mem>>)
      %dma_wait3A = tpu.memref_slice %arg3[%mul3A_2] : memref<16384xi32, #tpu.memory_space<hbm>> -> memref<512xi32, #tpu.memory_space<hbm>>
      %dma_wait3A_11 = tpu.memref_slice %arg3[%mul3A_2] : memref<16384xi32, #tpu.memory_space<hbm>> -> memref<512xi32, #tpu.memory_space<hbm>>
      tpu.wait_dma2 semaphore(%run_scoped3A : memref<!tpu.dma_semaphore, #tpu.memory_space<semaphore_mem>>) src(%dma_wait3A_11 : memref<512xi32, #tpu.memory_space<hbm>>) dst(%arg7 : memref<512xi32, #tpu.memory_space<vmem>>)
      tpu.yield
    }) : () -> ()
    "tpu.region"() ({
      %run_scoped3A = tpu.sem_alloc : memref<!tpu.dma_semaphore, #tpu.memory_space<semaphore_mem>>
      tpu.enqueue_dma source(%arg4 : memref<1024xf32, #tpu.memory_space<hbm>>) target(%arg8 : memref<1024xf32, #tpu.memory_space<vmem>>) target_semaphore(%run_scoped3A : memref<!tpu.dma_semaphore, #tpu.memory_space<semaphore_mem>>)
      tpu.wait_dma2 semaphore(%run_scoped3A : memref<!tpu.dma_semaphore, #tpu.memory_space<semaphore_mem>>) src(%arg4 : memref<1024xf32, #tpu.memory_space<hbm>>) dst(%arg8 : memref<1024xf32, #tpu.memory_space<vmem>>)
      tpu.yield
    }) : () -> ()
    %iota3A = tpu.iota {dimensions = array<i32: 0>} : vector<16xi32>
    %scan3A = arith.constant 0 : i32
    %scan3A_5 = arith.constant 0 : i32
    %scan3A_6 = arith.constant 32 : i32
    %scan3A_7 = arith.addi %scan3A_5, %scan3A_6 : i32
    %scan3A_8 = arith.constant 1 : i32
    scf.for %scan3A_10 = %scan3A_5 to %scan3A_7 step %scan3A_8  : i32 {
      %mul3A_11 = arith.constant 16 : i32
      %mul3A_12 = arith.muli %scan3A_10, %mul3A_11 : i32
      %mul3A_13 = arith.constant 32 : i32
      %mul3A_14 = arith.muli %mul3A_12, %mul3A_13 : i32
      %mul3A_15 = arith.constant 32 : i32
      %mul3A_16 = vector.broadcast %mul3A_15 : i32 to vector<16xi32>
      %mul3A_17 = arith.muli %iota3A, %mul3A_16 : vector<16xi32>
      %add3A_18 = vector.broadcast %mul3A_14 : i32 to vector<16xi32>
      %add3A_19 = arith.addi %add3A_18, %mul3A_17 : vector<16xi32>
      %get3A = arith.index_cast %mul3A_12 : i32 to index
      %get3A_20 = tpu.vector_load %arg7[%get3A] {strides = array<i32>} : memref<512xi32, #tpu.memory_space<vmem>>, vector<16xi32>,
      %mul3A_21 = arith.constant 16 : i32
      %mul3A_22 = vector.broadcast %mul3A_21 : i32 to vector<16xi32>
      %mul3A_23 = arith.muli %get3A_20, %mul3A_22 : vector<16xi32>
      %add3A_24 = arith.constant 8 : i32
      %add3A_25 = vector.broadcast %add3A_24 : i32 to vector<16xi32>
      %add3A_26 = arith.addi %mul3A_23, %add3A_25 : vector<16xi32>
      %gather3A = tpu.vector_load_idx %arg8[%add3A_26] : memref<1024xf32, #tpu.memory_space<vmem>>[vector<16xi32>], vector<16xf32>,
      %add3A_27 = arith.constant 0 : i32
      %add3A_28 = vector.broadcast %add3A_27 : i32 to vector<16xi32>
      %add3A_29 = arith.addi %add3A_19, %add3A_28 : vector<16xi32>
      %gather3A_30 = tpu.vector_load_idx %arg6[%add3A_29] : memref<16384xf32, #tpu.memory_space<vmem>>[vector<16xi32>], vector<16xf32>,
      %add3A_31 = arith.constant 0 : i32
      %add3A_32 = vector.broadcast %add3A_31 : i32 to vector<16xi32>
      %add3A_33 = arith.addi %mul3A_23, %add3A_32 : vector<16xi32>
      %gather3A_34 = tpu.vector_load_idx %arg8[%add3A_33] : memref<1024xf32, #tpu.memory_space<vmem>>[vector<16xi32>], vector<16xf32>,
      %mul3A_35 = arith.mulf %gather3A_30, %gather3A_34 : vector<16xf32>
      %add3A_36 = arith.addf %gather3A, %mul3A_35 : vector<16xf32>
      %add3A_37 = arith.constant 1 : i32
      %add3A_38 = vector.broadcast %add3A_37 : i32 to vector<16xi32>
      %add3A_39 = arith.addi %add3A_19, %add3A_38 : vector<16xi32>
      %gather3A_40 = tpu.vector_load_idx %arg6[%add3A_39] : memref<16384xf32, #tpu.memory_space<vmem>>[vector<16xi32>], vector<16xf32>,
      %add3A_41 = arith.constant 1 : i32
      %add3A_42 = vector.broadcast %add3A_41 : i32 to vector<16xi32>
      %add3A_43 = arith.addi %mul3A_23, %add3A_42 : vector<16xi32>
      %gather3A_44 = tpu.vector_load_idx %arg8[%add3A_43] : memref<1024xf32, #tpu.memory_space<vmem>>[vector<16xi32>], vector<16xf32>,
      %mul3A_45 = arith.mulf %gather3A_40, %gather3A_44 : vector<16xf32>
      %add3A_46 = arith.addf %add3A_36, %mul3A_45 : vector<16xf32>
      %add3A_47 = arith.constant 2 : i32
      %add3A_48 = vector.broadcast %add3A_47 : i32 to vector<16xi32>
      %add3A_49 = arith.addi %add3A_19, %add3A_48 : vector<16xi32>
      %gather3A_50 = tpu.vector_load_idx %arg6[%add3A_49] : memref<16384xf32, #tpu.memory_space<vmem>>[vector<16xi32>], vector<16xf32>,
      %add3A_51 = arith.constant 2 : i32
      %add3A_52 = vector.broadcast %add3A_51 : i32 to vector<16xi32>
      %add3A_53 = arith.addi %mul3A_23, %add3A_52 : vector<16xi32>
      %gather3A_54 = tpu.vector_load_idx %arg8[%add3A_53] : memref<1024xf32, #tpu.memory_space<vmem>>[vector<16xi32>], vector<16xf32>,
      %mul3A_55 = arith.mulf %gather3A_50, %gather3A_54 : vector<16xf32>
      %add3A_56 = arith.addf %add3A_46, %mul3A_55 : vector<16xf32>
      %add3A_57 = arith.constant 3 : i32
      %add3A_58 = vector.broadcast %add3A_57 : i32 to vector<16xi32>
      %add3A_59 = arith.addi %add3A_19, %add3A_58 : vector<16xi32>
      %gather3A_60 = tpu.vector_load_idx %arg6[%add3A_59] : memref<16384xf32, #tpu.memory_space<vmem>>[vector<16xi32>], vector<16xf32>,
      %add3A_61 = arith.constant 3 : i32
      %add3A_62 = vector.broadcast %add3A_61 : i32 to vector<16xi32>
      %add3A_63 = arith.addi %mul3A_23, %add3A_62 : vector<16xi32>
      %gather3A_64 = tpu.vector_load_idx %arg8[%add3A_63] : memref<1024xf32, #tpu.memory_space<vmem>>[vector<16xi32>], vector<16xf32>,
      %mul3A_65 = arith.mulf %gather3A_60, %gather3A_64 : vector<16xf32>
      %add3A_66 = arith.addf %add3A_56, %mul3A_65 : vector<16xf32>
      %add3A_67 = arith.constant 4 : i32
      %add3A_68 = vector.broadcast %add3A_67 : i32 to vector<16xi32>
      %add3A_69 = arith.addi %add3A_19, %add3A_68 : vector<16xi32>
      %gather3A_70 = tpu.vector_load_idx %arg6[%add3A_69] : memref<16384xf32, #tpu.memory_space<vmem>>[vector<16xi32>], vector<16xf32>,
      %add3A_71 = arith.constant 4 : i32
      %add3A_72 = vector.broadcast %add3A_71 : i32 to vector<16xi32>
      %add3A_73 = arith.addi %mul3A_23, %add3A_72 : vector<16xi32>
      %gather3A_74 = tpu.vector_load_idx %arg8[%add3A_73] : memref<1024xf32, #tpu.memory_space<vmem>>[vector<16xi32>], vector<16xf32>,
      %mul3A_75 = arith.mulf %gather3A_70, %gather3A_74 : vector<16xf32>
      %add3A_76 = arith.addf %add3A_66, %mul3A_75 : vector<16xf32>
      %add3A_77 = arith.constant 5 : i32
      %add3A_78 = vector.broadcast %add3A_77 : i32 to vector<16xi32>
      %add3A_79 = arith.addi %add3A_19, %add3A_78 : vector<16xi32>
      %gather3A_80 = tpu.vector_load_idx %arg6[%add3A_79] : memref<16384xf32, #tpu.memory_space<vmem>>[vector<16xi32>], vector<16xf32>,
      %add3A_81 = arith.constant 5 : i32
      %add3A_82 = vector.broadcast %add3A_81 : i32 to vector<16xi32>
      %add3A_83 = arith.addi %mul3A_23, %add3A_82 : vector<16xi32>
      %gather3A_84 = tpu.vector_load_idx %arg8[%add3A_83] : memref<1024xf32, #tpu.memory_space<vmem>>[vector<16xi32>], vector<16xf32>,
      %mul3A_85 = arith.mulf %gather3A_80, %gather3A_84 : vector<16xf32>
      %add3A_86 = arith.addf %add3A_76, %mul3A_85 : vector<16xf32>
      %add3A_87 = arith.constant 6 : i32
      %add3A_88 = vector.broadcast %add3A_87 : i32 to vector<16xi32>
      %add3A_89 = arith.addi %add3A_19, %add3A_88 : vector<16xi32>
      %gather3A_90 = tpu.vector_load_idx %arg6[%add3A_89] : memref<16384xf32, #tpu.memory_space<vmem>>[vector<16xi32>], vector<16xf32>,
      %add3A_91 = arith.constant 6 : i32
      %add3A_92 = vector.broadcast %add3A_91 : i32 to vector<16xi32>
      %add3A_93 = arith.addi %mul3A_23, %add3A_92 : vector<16xi32>
      %gather3A_94 = tpu.vector_load_idx %arg8[%add3A_93] : memref<1024xf32, #tpu.memory_space<vmem>>[vector<16xi32>], vector<16xf32>,
      %mul3A_95 = arith.mulf %gather3A_90, %gather3A_94 : vector<16xf32>
      %add3A_96 = arith.addf %add3A_86, %mul3A_95 : vector<16xf32>
      %add3A_97 = arith.constant 7 : i32
      %add3A_98 = vector.broadcast %add3A_97 : i32 to vector<16xi32>
      %add3A_99 = arith.addi %add3A_19, %add3A_98 : vector<16xi32>
      %gather3A_100 = tpu.vector_load_idx %arg6[%add3A_99] : memref<16384xf32, #tpu.memory_space<vmem>>[vector<16xi32>], vector<16xf32>,
      %add3A_101 = arith.constant 7 : i32
      %add3A_102 = vector.broadcast %add3A_101 : i32 to vector<16xi32>
      %add3A_103 = arith.addi %mul3A_23, %add3A_102 : vector<16xi32>
      %gather3A_104 = tpu.vector_load_idx %arg8[%add3A_103] : memref<1024xf32, #tpu.memory_space<vmem>>[vector<16xi32>], vector<16xf32>,
      %mul3A_105 = arith.mulf %gather3A_100, %gather3A_104 : vector<16xf32>
      %add3A_106 = arith.addf %add3A_96, %mul3A_105 : vector<16xf32>
      %swap3A = arith.index_cast %mul3A_12 : i32 to index
      %swap3A_107 = tpu.vector_load %arg9[%swap3A] {strides = array<i32>} : memref<512xf32, #tpu.memory_space<vmem>>, vector<16xf32>,
      tpu.vector_store %arg9[%swap3A], %add3A_106 {strides = array<i32>} : memref<512xf32, #tpu.memory_space<vmem>>, vector<16xf32>,
    }
    %scan3A_9 = arith.constant 32 : i32
    "tpu.region"() ({
      %run_scoped3A = tpu.sem_alloc : memref<!tpu.dma_semaphore, #tpu.memory_space<semaphore_mem>>
      %dma_start3A = tpu.memref_slice %arg5[%mul3A_2] : memref<16384xf32, #tpu.memory_space<hbm>> -> memref<512xf32, #tpu.memory_space<hbm>>
      %dma_start3A_10 = tpu.memref_slice %arg5[%mul3A_2] : memref<16384xf32, #tpu.memory_space<hbm>> -> memref<512xf32, #tpu.memory_space<hbm>>
      tpu.enqueue_dma source(%arg9 : memref<512xf32, #tpu.memory_space<vmem>>) target(%dma_start3A_10 : memref<512xf32, #tpu.memory_space<hbm>>) target_semaphore(%run_scoped3A : memref<!tpu.dma_semaphore, #tpu.memory_space<semaphore_mem>>)
      %dma_wait3A = tpu.memref_slice %arg5[%mul3A_2] : memref<16384xf32, #tpu.memory_space<hbm>> -> memref<512xf32, #tpu.memory_space<hbm>>
      %dma_wait3A_11 = tpu.memref_slice %arg5[%mul3A_2] : memref<16384xf32, #tpu.memory_space<hbm>> -> memref<512xf32, #tpu.memory_space<hbm>>
      tpu.wait_dma2 semaphore(%run_scoped3A : memref<!tpu.dma_semaphore, #tpu.memory_space<semaphore_mem>>) src(%arg9 : memref<512xf32, #tpu.memory_space<vmem>>) dst(%dma_wait3A_11 : memref<512xf32, #tpu.memory_space<hbm>>)
      tpu.yield
    }) : () -> ()
    return
  }
}

module attributes {stable_mosaic.version = 14 : i64} {
  func.func @_route_body(%arg0: memref<16384x32xf32, #tpu.memory_space<vmem>>, %arg1: memref<1x8xi32, #tpu.memory_space<vmem>>, %arg2: memref<64x8xf32, #tpu.memory_space<vmem>>, %arg3: memref<64x4xf32, #tpu.memory_space<vmem>>, %arg4: memref<4x8xf32, #tpu.memory_space<vmem>>, %arg5: memref<1x4xf32, #tpu.memory_space<vmem>>, %arg6: memref<16384x1xi32, #tpu.memory_space<vmem>>, %arg7: memref<64x16xf32, #tpu.memory_space<vmem>>) attributes {dimension_semantics = [], scalar_prefetch = 0 : i64, scratch_operands = 0 : i64, tpu.core_type = #tpu.core_type<tc>} {
    %get3A = arith.constant 0 : index
    %get3A_0 = arith.constant 0 : index
    %get3A_1 = vector.load %arg0[%get3A, %get3A_0] : memref<16384x32xf32, #tpu.memory_space<vmem>>, vector<16384x32xf32>
    %get3A_2 = arith.constant 0 : index
    %get3A_3 = arith.constant 0 : index
    %get3A_4 = vector.load %arg1[%get3A_2, %get3A_3] : memref<1x8xi32, #tpu.memory_space<vmem>>, vector<1x8xi32>
    %get3A_5 = arith.constant 0 : index
    %get3A_6 = arith.constant 0 : index
    %get3A_7 = vector.load %arg2[%get3A_5, %get3A_6] : memref<64x8xf32, #tpu.memory_space<vmem>>, vector<64x8xf32>
    %iota3A = tpu.iota {dimensions = array<i32: 0>} : vector<32x8xi32>
    %eq3A = vector.broadcast %get3A_4 : vector<1x8xi32> to vector<32x8xi32>
    %eq3A_8 = arith.cmpi eq, %iota3A, %eq3A : vector<32x8xi32>
    %convert_element_type3A = arith.extui %eq3A_8 : vector<32x8xi1> to vector<32x8xi32>
    %convert_element_type3A_9 = arith.sitofp %convert_element_type3A : vector<32x8xi32> to vector<32x8xf32>
    %mul3A = arith.constant -2.000000e+00 : f32
    %mul3A_10 = vector.broadcast %mul3A : f32 to vector<64x8xf32>
    %mul3A_11 = arith.mulf %mul3A_10, %get3A_7 : vector<64x8xf32>
    %dot_general3A = arith.constant dense<0.000000e+00> : vector<32x64xf32>
    %dot_general3A_12 = tpu.matmul %convert_element_type3A_9, %mul3A_11, %dot_general3A {dimension_numbers = #tpu.dot_dimension_numbers<[1], [1], [0], [0], [0, 0, 1, 0], [], []>, transpose_lhs_hint = false} : vector<32x8xf32>, vector<64x8xf32>, vector<32x64xf32> -> vector<32x64xf32>
    %broadcast_in_dim3A = arith.constant 1.000000e+00 : f32
    %broadcast_in_dim3A_13 = vector.broadcast %broadcast_in_dim3A : f32 to vector<1x8xf32>
    %mul3A_14 = arith.mulf %get3A_7, %get3A_7 : vector<64x8xf32>
    %dot_general3A_15 = arith.constant dense<0.000000e+00> : vector<1x64xf32>
    %dot_general3A_16 = tpu.matmul %broadcast_in_dim3A_13, %mul3A_14, %dot_general3A_15 {dimension_numbers = #tpu.dot_dimension_numbers<[1], [1], [0], [0], [0, 0, 1, 0], [], []>, transpose_lhs_hint = false} : vector<1x8xf32>, vector<64x8xf32>, vector<1x64xf32> -> vector<1x64xf32>
    %dot_general3A_17 = arith.constant dense<0.000000e+00> : vector<16384x64xf32>
    %dot_general3A_18 = tpu.matmul %get3A_1, %dot_general3A_12, %dot_general3A_17 {dimension_numbers = #tpu.dot_dimension_numbers<[1], [0], [0], [1], [0, 0, 1, 1], [], []>, transpose_lhs_hint = false} : vector<16384x32xf32>, vector<32x64xf32>, vector<16384x64xf32> -> vector<16384x64xf32>
    %add3A = vector.broadcast %dot_general3A_16 : vector<1x64xf32> to vector<16384x64xf32>
    %add3A_19 = arith.addf %dot_general3A_18, %add3A : vector<16384x64xf32>
    %reduce_min3A = arith.constant dense<0x7F800000> : vector<16384xf32>
    %reduce_min3A_20 = vector.multi_reduction <minimumf>, %add3A_19, %reduce_min3A [1] : vector<16384x64xf32> to vector<16384xf32>
    %broadcast_in_dim3A_21 = vector.shape_cast %reduce_min3A_20 : vector<16384xf32> to vector<16384x1xf32>
    %iota3A_22 = tpu.iota {dimensions = array<i32: 1>} : vector<16384x64xi32>
    %eq3A_23 = vector.broadcast %broadcast_in_dim3A_21 : vector<16384x1xf32> to vector<16384x64xf32>
    %eq3A_24 = arith.cmpf oeq, %add3A_19, %eq3A_23 : vector<16384x64xf32>
    %jit3A = arith.constant 64 : i32
    %broadcast_in_dim3A_25 = vector.broadcast %jit3A : i32 to vector<16384x64xi32>
    %select_n3A = arith.select %eq3A_24, %iota3A_22, %broadcast_in_dim3A_25 : vector<16384x64xi1>, vector<16384x64xi32>
    %reduce_min3A_26 = arith.constant dense<2147483647> : vector<16384xi32>
    %reduce_min3A_27 = vector.multi_reduction <minsi>, %select_n3A, %reduce_min3A_26 [1] : vector<16384x64xi32> to vector<16384xi32>
    %broadcast_in_dim3A_28 = vector.shape_cast %reduce_min3A_27 : vector<16384xi32> to vector<16384x1xi32>
    %swap3A = arith.constant 0 : index
    %swap3A_29 = arith.constant 0 : index
    %swap3A_30 = vector.load %arg6[%swap3A, %swap3A_29] : memref<16384x1xi32, #tpu.memory_space<vmem>>, vector<16384x1xi32>
    tpu.vector_store %arg6[%swap3A, %swap3A_29], %broadcast_in_dim3A_28 {strides = array<i32>} : memref<16384x1xi32, #tpu.memory_space<vmem>>, vector<16384x1xi32>,
    %get3A_31 = arith.constant 0 : index
    %get3A_32 = arith.constant 0 : index
    %get3A_33 = vector.load %arg3[%get3A_31, %get3A_32] : memref<64x4xf32, #tpu.memory_space<vmem>>, vector<64x4xf32>
    %abs3A = math.absf %get3A_33 : vector<64x4xf32>
    %reduce_sum3A = arith.constant dense<0.000000e+00> : vector<64xf32>
    %reduce_sum3A_34 = vector.multi_reduction <add>, %abs3A, %reduce_sum3A [1] : vector<64x4xf32> to vector<64xf32>
    %broadcast_in_dim3A_35 = vector.shape_cast %reduce_sum3A_34 : vector<64xf32> to vector<64x1xf32>
    %max3A = arith.constant 9.99999996E-13 : f32
    %max3A_36 = vector.broadcast %max3A : f32 to vector<64x1xf32>
    %max3A_37 = arith.maximumf %broadcast_in_dim3A_35, %max3A_36 : vector<64x1xf32>
    %div3A = vector.broadcast %max3A_37 : vector<64x1xf32> to vector<64x4xf32>
    %div3A_38 = arith.divf %abs3A, %div3A : vector<64x4xf32>
    %get3A_39 = arith.constant 0 : index
    %get3A_40 = arith.constant 0 : index
    %get3A_41 = vector.load %arg4[%get3A_39, %get3A_40] : memref<4x8xf32, #tpu.memory_space<vmem>>, vector<4x8xf32>
    %dot_general3A_42 = arith.constant dense<0.000000e+00> : vector<64x8xf32>
    %dot_general3A_43 = tpu.matmul %div3A_38, %get3A_41, %dot_general3A_42 {dimension_numbers = #tpu.dot_dimension_numbers<[1], [0], [0], [1], [0, 0, 1, 1], [], []>, transpose_lhs_hint = false} : vector<64x4xf32>, vector<4x8xf32>, vector<64x8xf32> -> vector<64x8xf32>
    %get3A_44 = arith.constant 0 : index
    %get3A_45 = arith.constant 0 : index
    %get3A_46 = vector.load %arg5[%get3A_44, %get3A_45] : memref<1x4xf32, #tpu.memory_space<vmem>>, vector<1x4xf32>
    %dot_general3A_47 = arith.constant dense<0.000000e+00> : vector<64x1xf32>
    %dot_general3A_48 = tpu.matmul %div3A_38, %get3A_46, %dot_general3A_47 {dimension_numbers = #tpu.dot_dimension_numbers<[1], [1], [0], [0], [0, 0, 1, 0], [], []>, transpose_lhs_hint = false} : vector<64x4xf32>, vector<1x4xf32>, vector<64x1xf32> -> vector<64x1xf32>
    %broadcast_in_dim3A_49 = arith.constant 0.000000e+00 : f32
    %broadcast_in_dim3A_50 = vector.broadcast %broadcast_in_dim3A_49 : f32 to vector<64x7xf32>
    %concatenate3A = tpu.concatenate %dot_general3A_43, %dot_general3A_48, %broadcast_in_dim3A_50 in 1 : vector<64x8xf32>, vector<64x1xf32>, vector<64x7xf32> -> vector<64x16xf32>
    %swap3A_51 = arith.constant 0 : index
    %swap3A_52 = arith.constant 0 : index
    %swap3A_53 = vector.load %arg7[%swap3A_51, %swap3A_52] : memref<64x16xf32, #tpu.memory_space<vmem>>, vector<64x16xf32>
    tpu.vector_store %arg7[%swap3A_51, %swap3A_52], %concatenate3A {strides = array<i32>} : memref<64x16xf32, #tpu.memory_space<vmem>>, vector<64x16xf32>,
    return
  }
}

</mosaic_0001>

<sc_bundles>
// kernel: kernel.4.cloned.1.call-start
scs
__scs_entry_jumppad:
0x0: {  	(pc) =	sbr.rel $0x88, $3  }
0x1: {  	(tag) =	ssettag $0x0;
	lr =	simm.s32 $0x1  }
0x2: {  	[smem:$0x3F9B] =	sst lr;
	_ =	strace $0xD0000000  }
0x3: {  	_ = 	snop  }
0x4: {  	_ = 	snop  }
0x5: {  	_ = 	snop  }
0x6: {  	_ = 	snop  }
0x7: {  	_ = 	snop  }
__scs_overlays_trampoline_lowered:
0x8: {  	[smem:$0x3FAA] =	sst s0  }
0x9: {  	[smem:$0x3FAB] =	sst s1  }
0xa: {  	[smem:$0x3FAC] =	sst s2  }
0xb: {  	[smem:$0x3FAD] =	sst s3  }
0xc: {  	[smem:$0x3FAE] =	sst s4  }
0xd: {  	[smem:$0x3FAF] =	sst s5  }
0xe: {  	[smem:$0x3FB0] =	sst s6  }
0xf: {  	[smem:$0x3FB1] =	sst s7  }
0x10: {  	[smem:$0x3FB2] =	sst s8  }
0x11: {  	[smem:$0x3FB3] =	sst s9;
	s0 =	simm.s32 @!p0 $0x0  }
0x12: {  	s1 =	sld [smem:$0x3F99];
	s0 =	simm.s32 @p0 $0x1  }
0x13: {  	[smem:$0x3FB4] =	sst s0;
	s0 =	simm.s32 @!p1 $0x0  }
0x14: {  	s2 =	sld [smem:$0x3F98];
	s0 =	simm.s32 @p1 $0x1  }
0x15: {  	[smem:$0x3FB5] =	sst s0;
	s0 =	simm.s32 @!p2 $0x0  }
0x16: {  	s3 =	sld [smem:$0x3FDB];
	s0 =	simm.s32 @p2 $0x1  }
0x17: {  	s4 =	simm.s32 $0x1BF5;
	[smem:$0x3FB7] =	sst s0  }
0x18: {  	s0 =	sld [smem:$0x3F9A];
	_ =	swait.ge [sflag:s4], $0x0  }
0x19: {  	s7 =	sld [smem:$0x3F9B]  }
0x1a: {  	s8 =	sadd.s32 $0xFFFFE003, lr  }
0x1b: {  	s9 =	sadd.s32 $0xFFFFFEF7, lr;
	s5 =	simm.s32 $0xFFFFFFFF;
	p2 =	slt.u32 s8, $0xFFFFF086  }
0x1c: {  	p1 =	slt.u32 s9, $0xF7A;
	s5 =	simm.s32 @!p2 $0x0  }
0x1d: {  	s5 =	simm.s32 @p1 $0x1;
	p0 =	seq.s32 s7, s2  }
0x1e: {  	s7 =	smul.u32 @!p0 $0xF7A, s2;
	p2 =	seq.s32 @!p0 s5, $0x0  }
0x1f: {  	s9 =	smul.u32 $0xF7A, s1;
	s8 =	simm.s32 @!p0 $0x1BF5;
	p2 =	por !p2, p0  }
0x20: {  	[sflag:s8] =	ssyncset.s32 @!p0 $0xFFFFF086;
	s6 =	sadd.s32 @!p0 s3, s7;
	s7 =	simm.s32 @!p0 $0x108  }
0x21: {  	s3 =	sadd.s32 s3, s9;
	s6 =	sadd.s32 @!p0 $0x88, s6;
	s7 =	simm.s32 @p2 $0x1082  }
0x22: {  	[simem:s7], [sflag:s8] =	dma.local @!p0 [hbm:s6], $0xF7A  }
0x23: {  	s9 =	sor.u32 $0xD0000000, s2;
	s6 =	simm.s32 $0x108;
	_ =	swait.ge @!p0 [sflag:s8], $0x0  }
0x24: {  	s3 =	sadd.s32 $0x88, s3;
	s6 =	simm.s32 @!p1 $0x1082;
	[sflag:s4] =	ssyncset.s32 $0xFFFFF086  }
0x25: {  	[simem:s6], [sflag:s4] =	dma.local [hbm:s3], $0xF7A  }
0x26: {  	[smem:$0x3F9B] =	sst s1;
	(tag) =	ssettag s2;
	_ =	strace s9  }
0x27: {  	s1 =	sld [smem:$0x3FAB]  }
0x28: {  	s2 =	sld [smem:$0x3FAC]  }
0x29: {  	s4 =	sld [smem:$0x3FAE]  }
0x2a: {  	p0 =	seq.s32 s5, $0x0;
	s5 =	sld [smem:$0x3FAF]  }
0x2b: {  	s6 =	sld [smem:$0x3FB0]  }
0x2c: {  	s7 =	sld [smem:$0x3FB1]  }
0x2d: {  	s3 =	simm.s32 $0x108;
	s8 =	sld [smem:$0x3FB2]  }
0x2e: {  	s3 =	simm.s32 @!p0 $0x1082;
	s9 =	sld [smem:$0x3FB3]  }
0x2f: {  	lr =	sadd.s32 s0, s3;
	s0 =	sld [smem:$0x3FAA]  }
0x30: {  	s3 =	sld [smem:$0x3FAD]  }
0x31: {  	[smem:$0x3FB6] =	sst s10  }
0x32: {  	s10 =	sld [smem:$0x3FB4];
	_ =	sdelay $0x3  }
0x33: {  	p0 =	seq.s32 s10, $0x1;
	s10 =	sld [smem:$0x3FB6];
	_ =	sdelay $0x3  }
0x34: {  	[smem:$0x3FB6] =	sst s10  }
0x35: {  	s10 =	sld [smem:$0x3FB5];
	_ =	sdelay $0x3  }
0x36: {  	p1 =	seq.s32 s10, $0x1;
	s10 =	sld [smem:$0x3FB6];
	_ =	sdelay $0x3  }
0x37: {  	[smem:$0x3FB6] =	sst s10  }
0x38: {  	s10 =	sld [smem:$0x3FB7]  }
0x39: {  	_ = 	snop;
	(pc) =	sbr.ind lr, $3  }
0x3a: {  	_ = 	snop  }
0x3b: {  	_ = 	snop  }
0x3c: {  	p2 =	seq.s32 s10, $0x1;
	s10 =	sld [smem:$0x3FB6]  }
0x3d: {  	_ =	shalt  }
0x3e: {  	_ =	shalt  }
0x3f: {  	_ =	shalt  }
0x40: {  	_ =	shalt  }
0x41: {  	_ =	shalt  }
0x42: {  	_ =	shalt  }
0x43: {  	_ =	shalt  }
0x44: {  	_ =	shalt  }
0x45: {  	_ =	shalt  }
0x46: {  	_ =	shalt  }
0x47: {  	_ =	shalt  }
0x48: {  	_ =	shalt  }
0x49: {  	_ =	shalt  }
0x4a: {  	_ =	shalt  }
0x4b: {  	_ =	shalt  }
0x4c: {  	_ =	shalt  }
0x4d: {  	_ =	shalt  }
0x4e: {  	_ =	shalt  }
0x4f: {  	_ =	shalt  }
0x50: {  	_ =	shalt  }
0x51: {  	_ =	shalt  }
0x52: {  	_ =	shalt  }
0x53: {  	_ =	shalt  }
0x54: {  	_ =	shalt  }
0x55: {  	_ =	shalt  }
0x56: {  	_ =	shalt  }
0x57: {  	_ =	shalt  }
0x58: {  	_ =	shalt  }
0x59: {  	_ =	shalt  }
0x5a: {  	_ =	shalt  }
0x5b: {  	_ =	shalt  }
0x5c: {  	_ =	shalt  }
0x5d: {  	_ =	shalt  }
0x5e: {  	_ =	shalt  }
0x5f: {  	_ =	shalt  }
0x60: {  	_ =	shalt  }
0x61: {  	_ =	shalt  }
0x62: {  	_ =	shalt  }
0x63: {  	_ =	shalt  }
0x64: {  	_ =	shalt  }
0x65: {  	_ =	shalt  }
0x66: {  	_ =	shalt  }
0x67: {  	_ =	shalt  }
0x68: {  	_ =	shalt  }
0x69: {  	_ =	shalt  }
0x6a: {  	_ =	shalt  }
0x6b: {  	_ =	shalt  }
0x6c: {  	_ =	shalt  }
0x6d: {  	_ =	shalt  }
0x6e: {  	_ =	shalt  }
0x6f: {  	_ =	shalt  }
0x70: {  	_ =	shalt  }
0x71: {  	_ =	shalt  }
0x72: {  	_ =	shalt  }
0x73: {  	_ =	shalt  }
0x74: {  	_ =	shalt  }
0x75: {  	_ =	shalt  }
0x76: {  	_ =	shalt  }
0x77: {  	_ =	shalt  }
0x78: {  	_ =	shalt  }
0x79: {  	_ =	shalt  }
0x7a: {  	_ =	shalt  }
0x7b: {  	_ =	shalt  }
0x7c: {  	_ =	shalt  }
0x7d: {  	_ =	shalt  }
0x7e: {  	_ =	shalt  }
0x7f: {  	_ =	shalt  }
0x80: {  	_ =	shalt  }
0x81: {  	_ =	shalt  }
0x82: {  	_ =	shalt  }
0x83: {  	_ =	shalt  }
0x84: {  	_ =	shalt  }
0x85: {  	_ =	shalt  }
0x86: {  	_ =	shalt  }
0x87: {  	_ =	shalt  }
.Lfunc_end0:
.L_simem_size_0:
called_computation_lowered:
.L_overlay_start_0:
0x88: {  	s2 =	sld [smem:$0x3FD9]  }
0x89: {  	s3 =	sld [smem:$0x3FFE];
	_ =	sdelay $0x1  }
0x8a: {  	s1 =	srdreg.scid  }
0x8b: {  	s0 =	sand.u32 $0x1, s1  }
0x8c: {  	s17 =	sshll.u32 s0, $0xA;
	s2 =	sadd.s32 s3, s2  }
0x8d: {  	s2 =	sadd.s32 s2, s17  }
0x8e: {  	[smem:$0x3FC2] =	sst s2  }
0x8f: {  	_ = 	snop  }
0x90: {  	s2 =	sld [smem:$0x3FD0];
	(tm) =	ssettm $0x1  }
0x91: {  	s18 =	sld [smem:$0x3FFB];
	_ =	sdelay $0x3  }
0x92: {  	_ =	strace s18  }
0x93: {  	s3 =	sld [smem:$0x3FFC];
	_ =	sdelay $0x3  }
0x94: {  	_ =	strace s3  }
0x95: {  	s3 =	sld [smem:$0x3FFD];
	_ =	sdelay $0x3  }
0x96: {  	_ =	strace s3  }
0x97: {  	_ =	strace $0x8FFFFFFF  }
0x98: {  	s19 =	sld [smem:$0x3FDB];
	_ =	sdelay $0x1  }
0x99: {  	s4 =	simm.s32 $_scs_section_size  }
0x9a: {  	s5 =	simm.s32 $_size__tile_overlayer_lowered;
	s6 =	simm.s32 $_tile_overlayer_lowered  }
0x9b: {  	s22 =	simm.s32 $0x1BFF;
	s21 =	sshll.u32 s6, $0x1;
	s3 =	sadd.s32 s4, s19  }
0x9c: {  	s7 =	simm.s32 $0x0;
	s20 =	sshll.u32 s5, $0x1;
	s5 =	sadd.s32 s21, s3  }
0x9d: {  	[timem:s7], [sflag:s22] =	dma.local [hbm:s5], s20  }
0x9e: {  	_ =	swait.ge [sflag:s22], s20  }
0x9f: {  	s4 =	ssub.s32 $0x0, s20;
	[sflag:s22] =	ssyncset.done $0x0  }
0xa0: {  	[sflag:s22] =	ssyncadd.s32 s4;
	_ =	sdelay $0x1  }
0xa1: {  	s23 =	simm.s32 $0x1B8B  }
0xa2: {  	_ =	swait.ge [sflag:s23], $0x1  }
0xa3: {  	[sflag:s23] =	ssyncset.done $0x0  }
0xa4: {  	s25 =	simm.s32 $0x1B8E;
	s24 =	sld [smem:$0x3FFE];
	[sflag:s23] =	ssyncadd.s32 $0xFFFFFFFF  }
0xa5: {  	s26 =	simm.s32 $execute0_lowered;
	[smem:$0x3FD2] =	sst s25  }
0xa6: {  	s5 =	sshll.u32 s26, $0x1;
	_ =	strace $0x80000046;
	[dreg:$0x1] =	wrdreg $0xFFFFFFFF  }
0xa7: {  	s28 =	simm.s32 $_size_execute0_lowered;
	s3 =	sadd.s32 s3, s5;
	[dreg:$0x0] =	wrdreg $0x0  }
0xa8: {  	s5 =	sshll.u32 s28, $0x1;
	[dreg:$0x2] =	wrdreg s3  }
0xa9: {  	[dreg:$0x3] =	wrdreg s5  }
0xaa: {  	[dreg:$0x4] =	wrdreg $0xC0  }
0xab: {  	_ =	task [dreg:s7], $0x5FFFF  }
0xac: {  	[dreg:$0x1] =	wrdreg $0xFFFFFFFF  }
0xad: {  	[dreg:$0x0] =	wrdreg $0x60  }
0xae: {  	[dreg:$0x2] =	wrdreg s24  }
0xaf: {  	[dreg:$0x3] =	wrdreg s2  }
0xb0: {  	[dreg:$0x4] =	wrdreg $0x9  }
0xb1: {  	_ =	task.clear_ibuf [dreg:s7], $0x5FFFF;
	_ =	strace $0x90000046  }
0xb2: {  	s29 =	simm.s32 $0x9;
	_ =	strace $0x80000048  }
0xb3: {  	_ =	swait.ge [sflag:s29], $0x1  }
0xb4: {  	[sflag:s29] =	ssyncadd.s32 $0xFFFFFFFF  }
0xb5: {  	_ =	strace $0x90000048  }
0xb6: {  	_ =	sfence  }
0xb7: {  	s30 =	sld [smem:$0x0];
	_ =	sdelay $0x2  }
0xb8: {  	s31 =	sshll.u32 s1, $0xD;
	s1 =	sshrl.u32 s1, $0x2  }
0xb9: {  	s3 =	sand.u32 $0x4000, s31;
	s1 =	sadd.s32 s1, s30  }
0xba: {  	s0 =	sor.u32 s3, s0;
	s1 =	sshll.u32 s1, $0x11  }
0xbb: {  	s0 =	sor.u32 s1, s0  }
0xbc: {  	s0 =	sadd.s32 $0x8F2B, s0  }
0xbd: {  	[sflag:s0] =	ssyncadd.remote.s32 $0x1  }
0xbe: {  	_ =	sfence.sel $0xFFFF  }
0xbf: {  	[dreg:$0x0] =	wrdreg $0xFFFFFFFF;
	(pc) =	sbr.abs _section_cstart, $3  }
0xc0: {  	[dreg:$0x1] =	wrdreg $0xFFFFFFFF  }
0xc1: {  	_ =	task.clear_ibuf [dreg:s7], $0x2FFFF;
	_ =	strace $0x9FFFFFFF  }
0xc2: {  	(tm) =	ssettm $0x7FFFFFFF  }
0xc3: {  	_ =	shalt  }
tec
execute0_lowered:
.L_overlay_start_1:
0x0: {  	(tag) =	ssettag $0x1  }
0x1: {  	s3 =	rddreg [dreg:$0x0]  }
0x2: {  	s6 =	rddreg [dreg:$0x1]  }
0x3: {  	s0 =	rddreg [dreg:$0x2]  }
0x4: {  	s4 =	srdreg.scid;
	s1 =	stileid.u32;
	s2 =	simm.s32 $0x0  }
0x5: {  	s10 =	simm.s32 $0x4600;
	s4 =	sand.u32 $0x1, s4;
	s5 =	sshll.u32 s1, $0x1  }
0x6: {  	v0 =	vlaneseq.u32;
	s11 =	simm.s32 $0x0;
	[smem:$0x7FF] =	sst s2;
	s5 =	sor.u32 s4, s5  }
0x7: {  	v1 =	vand.u32 $0x3, v0;
	v0 =	vmul.u32 $0x20, v0;
	_ =	strace $0x80000047;
	s4 =	ssub.s32 $0x2, s4;
	s7 =	sshll.u32 s5, $0xB  }
0x8: {  	s8 =	sshll.u32 s5, $0x6;
	s9 =	sshrl.u32 s4, $0x1;
	s7 =	sadd.s32 s7, s3  }
0x9: {  	v1 =	vmul.u32 $0x20, v1;
	v2 =	vor.u32 $0x1, v0;
	v3 =	vor.u32 $0x2, v0;
	s5 =	sadd.s32 s8, s3;
	s3 =	sadd.s32 $0x10C00, s3;
	s9 =	ssub.s32 s4, s9  }
0xa: {  	v4 =	vor.u32 $0x3, v0;
	v5 =	vor.u32 $0x4, v0;
	v6 =	vor.u32 $0x5, v0;
	s6 =	sadd.s32 s6, s8;
	s8 =	simm.s32 $0x1;
	s4 =	sadd.s32 $0xC00, s7  }
0xb: {  	v7 =	vor.u32 $0x6, v0;
	v8 =	vor.u32 $0x7, v0;
	v1 =	vor.u32 $0xFFFFFF80, v1;
	s5 =	sadd.s32 $0x10E00, s5;
	s7 =	smax.u32 s9, $0x1;
	s9 =	simm.s32 $0x4200  }
.LBB2_1:
0xc: {  	[tilespmem:s2], [sflag:$0x1] =	stream.linear.gather [hbm4b:s4+s2], $0x4000, $0x38;
	[tilespmem:$0x4800] =	vst v63  }
0xd: {  	_ =	swait.ge [sflag:s8], $0x4000  }
0xe: {  	[sflag:s8] =	ssyncset.done $0x0  }
0xf: {  	s12 =	simm.s32 $0x4000;
	[sflag:s8] =	ssyncadd.s32 $0xFFFFC000  }
0x10: {  	[tilespmem:s12], [sflag:$0x1] =	stream.linear.gather [hbm4b:s5+s2], $0x200, $0x38;
	[tilespmem:$0x4800] =	vst v63  }
0x11: {  	_ =	swait.ge [sflag:s8], $0x200  }
0x12: {  	[sflag:s8] =	ssyncset.done $0x0  }
0x13: {  	[sflag:s8] =	ssyncadd.s32 $0xFFFFFE00  }
0x14: {  	[tilespmem:s9], [sflag:$0x1] =	stream.linear.gather [hbm4b:s3+s2], $0x400, $0x38;
	[tilespmem:$0x4800] =	vst v63  }
0x15: {  	_ =	swait.ge [sflag:s8], $0x400  }
0x16: {  	[sflag:s8] =	ssyncset.done $0x0  }
0x17: {  	[sflag:s8] =	ssyncadd.s32 $0xFFFFFC00  }
0x18: {  	v9 =	vld [tilespmem:s12+$0x0];
	_ =	sdelay $0x2  }
0x19: {  	v10 =	vor.u32 s2, v0;
	v11 =	vor.u32 s2, v2  }
0x1a: {  	v10 =	vand.u32 v1, v10  }
0x1b: {  	v9 =	vshll.u32 v9, $0x4  }
0x1c: {  	v12 =	vor.u32 $0x8, v9  }
0x1d: {  	v13 =	vor.u32 $0x1, v9  }
0x1e: {  	v14 =	vor.u32 s2, v3;
	v11 =	vld.idx.msk [tilespmem:v11+s2+$0x0], $0xffff  }
0x1f: {  	v10 =	vld.idx.msk [tilespmem:v10+s2+$0x0], $0xffff;
	v15 =	vor.u32 $0x2, v9  }
0x20: {  	v17 =	vor.u32 s2, v4;
	v16 =	vld.idx.msk [tilespmem:v9+s9+$0x0], $0xffff  }
0x21: {  	v18 =	vor.u32 $0x3, v9;
	v12 =	vld.idx.msk [tilespmem:v12+s9+$0x0], $0xffff  }
0x22: {  	v19 =	vor.u32 s2, v5;
	v13 =	vld.idx.msk [tilespmem:v13+s9+$0x0], $0xffff  }
0x23: {  	v14 =	vld.idx.msk [tilespmem:v14+s2+$0x0], $0xffff;
	v20 =	vor.u32 $0x4, v9  }
0x24: {  	v21 =	vor.u32 s2, v6;
	v15 =	vld.idx.msk [tilespmem:v15+s9+$0x0], $0xffff  }
0x25: {  	v17 =	vld.idx.msk [tilespmem:v17+s2+$0x0], $0xffff;
	v22 =	vor.u32 $0x5, v9;
	v10 =	vmul.f32 v16, v10  }
0x26: {  	v57 =	vor.u32 s2, v7;
	v56 =	vld.idx.msk [tilespmem:v18+s9+$0x0], $0xffff  }
0x27: {  	v19 =	vld.idx.msk [tilespmem:v19+s2+$0x0], $0xffff;
	v23 =	vor.u32 $0x6, v9;
	v11 =	vmul.f32 v13, v11;
	v10 =	vadd.f32 v10, v12  }
0x28: {  	v9 =	vor.u32 $0x7, v9;
	v58 =	vld.idx.msk [tilespmem:v20+s9+$0x0], $0xffff  }
0x29: {  	v59 =	vor.u32 s2, v8;
	v60 =	vld.idx.msk [tilespmem:v21+s2+$0x0], $0xffff;
	v10 =	vadd.f32 v11, v10;
	v11 =	vmul.f32 v15, v14  }
0x2a: {  	v61 =	vld.idx.msk [tilespmem:v22+s9+$0x0], $0xffff  }
0x2b: {  	v62 =	vld.idx.msk [tilespmem:v57+s2+$0x0], $0xffff;
	v10 =	vadd.f32 v11, v10;
	v11 =	vmul.f32 v56, v17  }
0x2c: {  	v63 =	vld.idx.msk [tilespmem:v23+s9+$0x0], $0xffff  }
0x2d: {  	v9 =	vld.idx.msk [tilespmem:v9+s9+$0x0], $0xffff;
	v10 =	vadd.f32 v11, v10;
	v11 =	vmul.f32 v58, v19  }
0x2e: {  	v13 =	vld.idx.msk [tilespmem:v59+s2+$0x0], $0xffff  }
0x2f: {  	v10 =	vadd.f32 v11, v10;
	v11 =	vmul.f32 v61, v60;
	_ =	sdelay $0x1  }
0x30: {  	v10 =	vadd.f32 v11, v10;
	v11 =	vmul.f32 v63, v62;
	_ =	sdelay $0x1  }
0x31: {  	v9 =	vmul.f32 v9, v13;
	v10 =	vadd.f32 v11, v10;
	_ =	sdelay $0x1  }
0x32: {  	v9 =	vadd.f32 v9, v10;
	_ =	sdelay $0x1  }
0x33: {  	s14 =	simm.s32 $0x4010;
	[tilespmem:s10+$0x0] =	vst v9  }
0x34: {  	s13 =	simm.s32 $0x200;
	s15 =	simm.s32 $0x400;
	s12 =	simm.s32 $0x4600;
	v9 =	vld [tilespmem:s14+$0x0]  }
.LBB2_2:
0x35: {  	p0 =	sne.s32 s15, $0x3E00;
	_ =	sdelay $0x1  }
0x36: {  	v10 =	vor.u32 s13, v0;
	v11 =	vor.u32 s13, v2  }
0x37: {  	v10 =	vand.u32 v1, v10  }
0x38: {  	v9 =	vshll.u32 v9, $0x4  }
0x39: {  	v12 =	vor.u32 $0x8, v9  }
0x3a: {  	v13 =	vor.u32 $0x1, v9  }
0x3b: {  	v14 =	vor.u32 s13, v3;
	v11 =	vld.idx.msk [tilespmem:v11+s2+$0x0], $0xffff  }
0x3c: {  	v15 =	vor.u32 $0x2, v9;
	v10 =	vld.idx.msk [tilespmem:v10+s2+$0x0], $0xffff  }
0x3d: {  	v17 =	vor.u32 s13, v4;
	v16 =	vld.idx.msk [tilespmem:v9+s9+$0x0], $0xffff  }
0x3e: {  	v18 =	vor.u32 $0x3, v9;
	v12 =	vld.idx.msk [tilespmem:v12+s9+$0x0], $0xffff  }
0x3f: {  	v19 =	vor.u32 s13, v5;
	v13 =	vld.idx.msk [tilespmem:v13+s9+$0x0], $0xffff  }
0x40: {  	v20 =	vor.u32 $0x4, v9;
	v14 =	vld.idx.msk [tilespmem:v14+s2+$0x0], $0xffff  }
0x41: {  	v21 =	vor.u32 s13, v6;
	v15 =	vld.idx.msk [tilespmem:v15+s9+$0x0], $0xffff  }
0x42: {  	v22 =	vor.u32 $0x5, v9;
	v17 =	vld.idx.msk [tilespmem:v17+s2+$0x0], $0xffff  }
0x43: {  	v10 =	vmul.f32 v16, v10;
	v16 =	vld.idx.msk [tilespmem:v18+s9+$0x0], $0xffff;
	v18 =	vor.u32 s13, v7  }
0x44: {  	v23 =	vor.u32 $0x6, v9;
	v19 =	vld.idx.msk [tilespmem:v19+s2+$0x0], $0xffff  }
0x45: {  	v10 =	vadd.f32 v10, v12;
	v11 =	vmul.f32 v13, v11;
	v13 =	vor.u32 s13, v8;
	s13 =	smov.u32 s15;
	v12 =	vld.idx.msk [tilespmem:v20+s9+$0x0], $0xffff  }
0x46: {  	v9 =	vor.u32 $0x7, v9;
	v20 =	vld.idx.msk [tilespmem:v21+s2+$0x0], $0xffff  }
0x47: {  	v10 =	vadd.f32 v11, v10;
	v11 =	vmul.f32 v15, v14;
	v14 =	vld.idx.msk [tilespmem:v22+s9+$0x0], $0xffff  }
0x48: {  	v15 =	vld.idx.msk [tilespmem:v18+s2+$0x0], $0xffff  }
0x49: {  	v10 =	vadd.f32 v11, v10;
	v11 =	vmul.f32 v16, v17;
	v16 =	vld.idx.msk [tilespmem:v23+s9+$0x0], $0xffff  }
0x4a: {  	v13 =	vld.idx.msk [tilespmem:v13+s2+$0x0], $0xffff  }
0x4b: {  	v10 =	vadd.f32 v11, v10;
	v11 =	vmul.f32 v12, v19;
	v9 =	vld.idx.msk [tilespmem:v9+s9+$0x0], $0xffff;
	_ =	sdelay $0x1  }
0x4c: {  	v10 =	vadd.f32 v11, v10;
	v11 =	vmul.f32 v14, v20;
	_ =	sdelay $0x1  }
0x4d: {  	v10 =	vadd.f32 v11, v10;
	v11 =	vmul.f32 v16, v15;
	_ =	sdelay $0x1  }
0x4e: {  	v10 =	vadd.f32 v11, v10;
	v9 =	vmul.f32 v9, v13  }
.Ltmp0:
0x4f: {  	(pc) =	sbr.rel @p0 .LBB2_2-.Ltmp0, $4  }
0x50: {  	v9 =	vadd.f32 v9, v10  }
0x51: {  	s12 =	sadd.s32 $0x10, s12  }
0x52: {  	s14 =	sadd.s32 $0x10, s14;
	[tilespmem:s12+$0x0] =	vst v9  }
0x53: {  	s15 =	sadd.s32 $0x200, s15;
	v9 =	vld [tilespmem:s14+$0x0]  }
0x54: {  	_ =	sdelay $0x1  }
0x55: {  	v10 =	vor.u32 s13, v0;
	v11 =	vor.u32 s13, v2  }
0x56: {  	v10 =	vand.u32 v1, v10  }
0x57: {  	v9 =	vshll.u32 v9, $0x4  }
0x58: {  	v12 =	vor.u32 $0x8, v9  }
0x59: {  	v13 =	vor.u32 $0x1, v9  }
0x5a: {  	v14 =	vor.u32 s13, v3;
	v11 =	vld.idx.msk [tilespmem:v11+s2+$0x0], $0xffff  }
0x5b: {  	v15 =	vor.u32 $0x2, v9;
	v10 =	vld.idx.msk [tilespmem:v10+s2+$0x0], $0xffff  }
0x5c: {  	v17 =	vor.u32 s13, v4;
	v16 =	vld.idx.msk [tilespmem:v9+s9+$0x0], $0xffff  }
0x5d: {  	v18 =	vor.u32 $0x3, v9;
	v12 =	vld.idx.msk [tilespmem:v12+s9+$0x0], $0xffff  }
0x5e: {  	v19 =	vor.u32 s13, v5;
	v13 =	vld.idx.msk [tilespmem:v13+s9+$0x0], $0xffff  }
0x5f: {  	v14 =	vld.idx.msk [tilespmem:v14+s2+$0x0], $0xffff;
	v20 =	vor.u32 $0x4, v9  }
0x60: {  	v21 =	vor.u32 s13, v6;
	v15 =	vld.idx.msk [tilespmem:v15+s9+$0x0], $0xffff  }
0x61: {  	v17 =	vld.idx.msk [tilespmem:v17+s2+$0x0], $0xffff;
	v22 =	vor.u32 $0x5, v9;
	v10 =	vmul.f32 v16, v10  }
0x62: {  	v57 =	vor.u32 s13, v7;
	v56 =	vld.idx.msk [tilespmem:v18+s9+$0x0], $0xffff  }
0x63: {  	v19 =	vld.idx.msk [tilespmem:v19+s2+$0x0], $0xffff;
	v23 =	vor.u32 $0x6, v9;
	v11 =	vmul.f32 v13, v11;
	v10 =	vadd.f32 v10, v12  }
0x64: {  	v9 =	vor.u32 $0x7, v9;
	v58 =	vld.idx.msk [tilespmem:v20+s9+$0x0], $0xffff  }
0x65: {  	v59 =	vor.u32 s13, v8;
	v60 =	vld.idx.msk [tilespmem:v21+s2+$0x0], $0xffff;
	v10 =	vadd.f32 v11, v10;
	v11 =	vmul.f32 v15, v14  }
0x66: {  	v61 =	vld.idx.msk [tilespmem:v22+s9+$0x0], $0xffff  }
0x67: {  	v62 =	vld.idx.msk [tilespmem:v57+s2+$0x0], $0xffff;
	v10 =	vadd.f32 v11, v10;
	v11 =	vmul.f32 v56, v17  }
0x68: {  	v63 =	vld.idx.msk [tilespmem:v23+s9+$0x0], $0xffff  }
0x69: {  	v9 =	vld.idx.msk [tilespmem:v9+s9+$0x0], $0xffff;
	v10 =	vadd.f32 v11, v10;
	v11 =	vmul.f32 v58, v19  }
0x6a: {  	v13 =	vld.idx.msk [tilespmem:v59+s2+$0x0], $0xffff  }
0x6b: {  	v10 =	vadd.f32 v11, v10;
	v11 =	vmul.f32 v61, v60;
	_ =	sdelay $0x1  }
0x6c: {  	v10 =	vadd.f32 v11, v10;
	v11 =	vmul.f32 v63, v62;
	_ =	sdelay $0x1  }
0x6d: {  	v9 =	vmul.f32 v9, v13;
	v10 =	vadd.f32 v11, v10;
	_ =	sdelay $0x1  }
0x6e: {  	s11 =	sadd.s32 $0x1, s11;
	v9 =	vadd.f32 v9, v10  }
0x6f: {  	s12 =	sadd.s32 $0x10, s12;
	p0 =	sne.s32 s11, s7  }
.Ltmp1:
0x70: {  	[tilespmem:s12+$0x0] =	vst v9;
	(pc) =	sbr.rel @p0 .LBB2_1-.Ltmp1, $4  }
0x71: {  	[hbm4b:s6+s2] =	stream.linear.scatter [tilespmem:s10], [sflag:$0x1], $0x200, $0x38;
	[tilespmem:$0x4800] =	vst v63  }
0x72: {  	_ =	swait.ge [sflag:s8], $0x200  }
0x73: {  	[sflag:s8] =	ssyncset.done $0x0  }
0x74: {  	[sflag:s8] =	ssyncadd.s32 $0xFFFFFE00  }
0x75: {  	_ =	sfence.sel $0x180000  }
0x76: {  	[bflag:$0x0] =	sbarrier.arrive $0xFFFF  }
0x77: {  	p0 =	sne.s32 s1, $0x0;
	_ =	strace $0x90000047  }
0x78: {  	s0 =	sadd.s32 @!p0 $0x100000, s0;
	[bflag:$0x2] =	sbarrier.arrive $0xFFFF  }
0x79: {  	[sflag:s0] =	ssyncadd.tile.s32 @!p0 $0x1;
	_ =	shalt  }
.Lfunc_end2:
_tile_overlayer_lowered:
.L_overlay_start_2:
0x7a: {  	(tag) =	ssettag $0x2  }
0x7b: {  	s0 =	rddreg [dreg:$0x0];
	s2 =	stileid.u32  }
0x7c: {  	s1 =	rddreg [dreg:$0x1];
	p0 =	sne.s32 s2, $0x0  }
0x7d: {  	s3 =	rddreg [dreg:$0x2];
	[bflag:$0x3] =	sbarrier.arrive $0xFFFF;
	s2 =	simm.s32 @!p0 $0x1C01  }
0x7e: {  	[timem:s3], [sflag:s2] =	dma.local @!p0 [hbm:s0], s1  }
0x7f: {  	s0 =	simm.s32 @!p0 $0x1  }
0x80: {  	_ =	swait.ge @!p0 [sflag:s0], s1  }
0x81: {  	s1 =	ssub.s32 @!p0 $0x0, s1;
	[sflag:s0] =	ssyncset.done @!p0 $0x0  }
0x82: {  	[sflag:s0] =	ssyncadd.s32 @!p0 s1  }
0x83: {  	[bflag:$0x3] =	sbarrier.arrive $0xFFFF  }
0x84: {  	_ =	shalt  }

</sc_bundles>
